<compile_context>
chip_gen: v7x
topology: tpu7x:2x2x1
jax: 0.10.2.dev20260603
libtpu: 0.0.44.dev20260713+nightly
codegen_flags: <defaults>
</compile_context>

<pallas_src>
import functools

import jax
import jax.numpy as jnp
from jax import lax
from jax.experimental import pallas as pl
from jax.experimental.pallas import tpu as pltpu
from jax.experimental.pallas import tpu_sc as plsc


def _sc_gather_rows(labels, gammas, betas):
    B = labels.shape[0]
    C = gammas.shape[1]

    b_per_w = 8
    n_active = B // b_per_w
    assert B % b_per_w == 0

    mesh = plsc.VectorSubcoreMesh(core_axis_name="c", subcore_axis_name="s", num_cores=1, num_subcores=8)

    @functools.partial(
        pl.kernel,
        mesh=mesh,
        out_type=[
            jax.ShapeDtypeStruct((B, C), jnp.float32),
            jax.ShapeDtypeStruct((B, C), jnp.float32),
        ],
        scratch_types=[
            pltpu.VMEM((b_per_w,), jnp.int32),
            pltpu.VMEM((b_per_w, C), jnp.float32),
            pltpu.VMEM((b_per_w, C), jnp.float32),
            pltpu.SemaphoreType.DMA,
            pltpu.SemaphoreType.DMA,
        ],
    )
    def gather_kernel(labels_hbm, gammas_hbm, betas_hbm, gout_hbm, bout_hbm,
                      idx_v, grows_v, brows_v, gsem, bsem):
        wid = lax.axis_index("s") + lax.axis_index("c")

        @pl.when(wid < n_active)
        def _():
            base = wid * b_per_w
            pltpu.sync_copy(labels_hbm.at[pl.ds(base, b_per_w)], idx_v)
            g_cp = pltpu.async_copy(gammas_hbm.at[idx_v], grows_v, gsem)
            b_cp = pltpu.async_copy(betas_hbm.at[idx_v], brows_v, bsem)
            g_cp.wait()
            b_cp.wait()
            g_out = pltpu.async_copy(grows_v, gout_hbm.at[pl.ds(base, b_per_w)], gsem)
            b_out = pltpu.async_copy(brows_v, bout_hbm.at[pl.ds(base, b_per_w)], bsem)
            g_out.wait()
            b_out.wait()

    return gather_kernel(labels, gammas, betas)


def _film_body(x_ref, g_ref, b_ref, o_ref):
    nb = x_ref.shape[0]
    i = pl.program_id(0)
    for j in range(nb):
        g = g_ref[i * nb + j, :]
        b = b_ref[i * nb + j, :]
        o_ref[j, :, :] = x_ref[j, :, :] * g[None, :] + b[None, :]


def _film(batch3, grows, brows, nb=8):
    B, P, C = batch3.shape
    return pl.pallas_call(
        _film_body,
        grid=(B // nb,),
        in_specs=[
            pl.BlockSpec((nb, P, C), lambda i: (i, 0, 0)),
            pl.BlockSpec((B, C), lambda i: (0, 0)),
            pl.BlockSpec((B, C), lambda i: (0, 0)),
        ],
        out_specs=pl.BlockSpec((nb, P, C), lambda i: (i, 0, 0)),
        out_shape=jax.ShapeDtypeStruct((B, P, C), jnp.float32),
        compiler_params=pltpu.CompilerParams(
            dimension_semantics=("arbitrary",),
        ),
    )(batch3, grows, brows)


def kernel(batch, labels, gammas, betas):
    B, C, H, W = batch.shape
    labels = labels.astype(jnp.int32)
    grows, brows = _sc_gather_rows(labels, gammas, betas)
    bt = jnp.transpose(batch, (0, 2, 3, 1)).reshape(B, H * W, C)
    out = _film(bt, grows, brows)
    return jnp.transpose(out.reshape(B, H, W, C), (0, 3, 1, 2))

# --- scband reference (transcript-rebuilt; emitter-appended) ---
"""Pipeline reference for scband-condition-76476187673179 (READ-ONLY COPY).

The authoritative reference and input builder live on the scoring server;
editing this copy changes nothing except your own understanding.
"""

import jax, jax.numpy as jnp
import numpy as np

B, C, H, W = 64, 256, 32, 32
LABELS = 1000

def setup_inputs(seed: int = 0) -> dict:
    key = jax.random.key(seed)
    k1, k2, k3, k4 = jax.random.split(key, 4)
    batch = jax.random.normal(k1, (B, C, H, W), dtype=jnp.float32)
    labels = jax.random.randint(k2, (B,), 0, LABELS, dtype=jnp.int64 if jax.config.jax_enable_x64 else jnp.int32)
    gammas = jax.random.normal(k3, (LABELS, C), dtype=jnp.float32) * 0.02
    betas = jax.random.normal(k4, (LABELS, C), dtype=jnp.float32) * 0.02
    return {"batch": batch, "labels": labels, "gammas": gammas, "betas": betas}

def reference(batch, labels, gammas, betas):
    # nn.Embedding lookups -> row gather from tables
    gamma = jnp.take(gammas, labels, axis=0)  # [B, C]
    beta = jnp.take(betas, labels, axis=0)    # [B, C]
    # unsqueeze(2).unsqueeze(3).expand(batch.shape) -> broadcast over H, W
    gamma = gamma[:, :, None, None]
    beta = beta[:, :, None, None]
    return batch * gamma + beta

if __name__ == "__main__":
    import jax
    _d = setup_inputs()
    print(jax.jit(kernel)(*tuple(_d.values())))

</pallas_src>

<mosaic_0001>
#map = affine_map<(d0, d1) -> (0)>
#map1 = affine_map<(d0, d1) -> (0, 0)>
module attributes {stable_mosaic.version = 14 : i64} {
  func.func @gather_kernel(%arg0: i32, %arg1: i32, %arg2: memref<64xi32, #tpu.memory_space<hbm>>, %arg3: memref<1000x256xf32, #tpu.memory_space<hbm>>, %arg4: memref<1000x256xf32, #tpu.memory_space<hbm>>, %arg5: memref<64x256xf32, #tpu.memory_space<hbm>>, %arg6: memref<64x256xf32, #tpu.memory_space<hbm>>, %arg7: memref<8xi32, #tpu.memory_space<vmem>>, %arg8: memref<8x256xf32, #tpu.memory_space<vmem>>, %arg9: memref<8x256xf32, #tpu.memory_space<vmem>>, %arg10: memref<!tpu.dma_semaphore, #tpu.memory_space<semaphore_mem>>, %arg11: memref<!tpu.dma_semaphore, #tpu.memory_space<semaphore_mem>>) attributes {dimension_semantics = [#tpu.dimension_semantics<core_parallel>, #tpu.dimension_semantics<subcore_parallel>], iteration_bounds = array<i64: 1, 8>, scalar_prefetch = 0 : i64, scratch_operands = 5 : i64, tpu.core_type = #tpu.core_type<sc_vector_subcore>, window_params = [{transform_indices = #map}, {transform_indices = #map1}, {transform_indices = #map1}, {transform_indices = #map1}, {transform_indices = #map1}]} {
    %add3A = arith.addi %arg1, %arg0 : i32
    %lt3A = arith.constant 8 : i32
    %lt3A_0 = arith.cmpi slt, %add3A, %lt3A : i32
    %convert_element_type3A = arith.extui %lt3A_0 : i1 to i32
    %cond3A = arith.constant 0 : i32
    %cond3A_1 = arith.cmpi ne, %convert_element_type3A, %cond3A : i32
    scf.if %cond3A_1 {
      %mul3A = arith.constant 8 : i32
      %mul3A_2 = arith.muli %add3A, %mul3A : i32
      "tpu.region"() ({
        %run_scoped3A = tpu.sem_alloc : memref<!tpu.dma_semaphore, #tpu.memory_space<semaphore_mem>>
        %dma_start3A_29 = tpu.memref_slice %arg2[%mul3A_2] : memref<64xi32, #tpu.memory_space<hbm>> -> memref<8xi32, #tpu.memory_space<hbm>>
        %dma_start3A_30 = tpu.memref_slice %arg2[%mul3A_2] : memref<64xi32, #tpu.memory_space<hbm>> -> memref<8xi32, #tpu.memory_space<hbm>>
        tpu.enqueue_dma source(%dma_start3A_30 : memref<8xi32, #tpu.memory_space<hbm>>) target(%arg7 : memref<8xi32, #tpu.memory_space<vmem>>) target_semaphore(%run_scoped3A : memref<!tpu.dma_semaphore, #tpu.memory_space<semaphore_mem>>)
        %dma_wait3A_31 = tpu.memref_slice %arg2[%mul3A_2] : memref<64xi32, #tpu.memory_space<hbm>> -> memref<8xi32, #tpu.memory_space<hbm>>
        %dma_wait3A_32 = tpu.memref_slice %arg2[%mul3A_2] : memref<64xi32, #tpu.memory_space<hbm>> -> memref<8xi32, #tpu.memory_space<hbm>>
        tpu.wait_dma2 semaphore(%run_scoped3A : memref<!tpu.dma_semaphore, #tpu.memory_space<semaphore_mem>>) src(%dma_wait3A_32 : memref<8xi32, #tpu.memory_space<hbm>>) dst(%arg7 : memref<8xi32, #tpu.memory_space<vmem>>)
        tpu.yield
      }) : () -> ()
      %dma_start3A = arith.constant 0 : i32
      %dma_start3A_3 = arith.constant 0 : i32
      %dma_start3A_4 = tpu.memref_slice %arg3[%dma_start3A, %dma_start3A_3] : memref<1000x256xf32, #tpu.memory_space<hbm>> -> memref<1000x256xf32, #tpu.memory_space<hbm>>
      tpu.enqueue_indirect_dma source(%dma_start3A_4 : memref<1000x256xf32, #tpu.memory_space<hbm>>) target(%arg8 : memref<8x256xf32, #tpu.memory_space<vmem>>) offsets(%arg7 : memref<8xi32, #tpu.memory_space<vmem>>) semaphore(%arg10 : memref<!tpu.dma_semaphore, #tpu.memory_space<semaphore_mem>>)
      %dma_start3A_5 = arith.constant 0 : i32
      %dma_start3A_6 = arith.constant 0 : i32
      %dma_start3A_7 = tpu.memref_slice %arg4[%dma_start3A_5, %dma_start3A_6] : memref<1000x256xf32, #tpu.memory_space<hbm>> -> memref<1000x256xf32, #tpu.memory_space<hbm>>
      tpu.enqueue_indirect_dma source(%dma_start3A_7 : memref<1000x256xf32, #tpu.memory_space<hbm>>) target(%arg9 : memref<8x256xf32, #tpu.memory_space<vmem>>) offsets(%arg7 : memref<8xi32, #tpu.memory_space<vmem>>) semaphore(%arg11 : memref<!tpu.dma_semaphore, #tpu.memory_space<semaphore_mem>>)
      %dma_wait3A = arith.constant 0 : i32
      %dma_wait3A_8 = arith.constant 0 : i32
      %dma_wait3A_9 = tpu.memref_slice %arg3[%dma_wait3A, %dma_wait3A_8] : memref<1000x256xf32, #tpu.memory_space<hbm>> -> memref<1000x256xf32, #tpu.memory_space<hbm>>
      tpu.wait_indirect_dma semaphore(%arg10 : memref<!tpu.dma_semaphore, #tpu.memory_space<semaphore_mem>>) src(%dma_wait3A_9 : memref<1000x256xf32, #tpu.memory_space<hbm>>) dst(%arg8 : memref<8x256xf32, #tpu.memory_space<vmem>>)
      %dma_wait3A_10 = arith.constant 0 : i32
      %dma_wait3A_11 = arith.constant 0 : i32
      %dma_wait3A_12 = tpu.memref_slice %arg4[%dma_wait3A_10, %dma_wait3A_11] : memref<1000x256xf32, #tpu.memory_space<hbm>> -> memref<1000x256xf32, #tpu.memory_space<hbm>>
      tpu.wait_indirect_dma semaphore(%arg11 : memref<!tpu.dma_semaphore, #tpu.memory_space<semaphore_mem>>) src(%dma_wait3A_12 : memref<1000x256xf32, #tpu.memory_space<hbm>>) dst(%arg9 : memref<8x256xf32, #tpu.memory_space<vmem>>)
      %dma_start3A_13 = arith.constant 0 : i32
      %dma_start3A_14 = tpu.memref_slice %arg5[%mul3A_2, %dma_start3A_13] : memref<64x256xf32, #tpu.memory_space<hbm>> -> memref<8x256xf32, #tpu.memory_space<hbm>>
      %dma_start3A_15 = arith.constant 0 : i32
      %dma_start3A_16 = tpu.memref_slice %arg5[%mul3A_2, %dma_start3A_15] : memref<64x256xf32, #tpu.memory_space<hbm>> -> memref<8x256xf32, #tpu.memory_space<hbm>>
      tpu.enqueue_dma source(%arg8 : memref<8x256xf32, #tpu.memory_space<vmem>>) target(%dma_start3A_16 : memref<8x256xf32, #tpu.memory_space<hbm>>) target_semaphore(%arg10 : memref<!tpu.dma_semaphore, #tpu.memory_space<semaphore_mem>>)
      %dma_start3A_17 = arith.constant 0 : i32
      %dma_start3A_18 = tpu.memref_slice %arg6[%mul3A_2, %dma_start3A_17] : memref<64x256xf32, #tpu.memory_space<hbm>> -> memref<8x256xf32, #tpu.memory_space<hbm>>
      %dma_start3A_19 = arith.constant 0 : i32
      %dma_start3A_20 = tpu.memref_slice %arg6[%mul3A_2, %dma_start3A_19] : memref<64x256xf32, #tpu.memory_space<hbm>> -> memref<8x256xf32, #tpu.memory_space<hbm>>
      tpu.enqueue_dma source(%arg9 : memref<8x256xf32, #tpu.memory_space<vmem>>) target(%dma_start3A_20 : memref<8x256xf32, #tpu.memory_space<hbm>>) target_semaphore(%arg11 : memref<!tpu.dma_semaphore, #tpu.memory_space<semaphore_mem>>)
      %dma_wait3A_21 = arith.constant 0 : i32
      %dma_wait3A_22 = tpu.memref_slice %arg5[%mul3A_2, %dma_wait3A_21] : memref<64x256xf32, #tpu.memory_space<hbm>> -> memref<8x256xf32, #tpu.memory_space<hbm>>
      %dma_wait3A_23 = arith.constant 0 : i32
      %dma_wait3A_24 = tpu.memref_slice %arg5[%mul3A_2, %dma_wait3A_23] : memref<64x256xf32, #tpu.memory_space<hbm>> -> memref<8x256xf32, #tpu.memory_space<hbm>>
      tpu.wait_dma2 semaphore(%arg10 : memref<!tpu.dma_semaphore, #tpu.memory_space<semaphore_mem>>) src(%arg8 : memref<8x256xf32, #tpu.memory_space<vmem>>) dst(%dma_wait3A_24 : memref<8x256xf32, #tpu.memory_space<hbm>>)
      %dma_wait3A_25 = arith.constant 0 : i32
      %dma_wait3A_26 = tpu.memref_slice %arg6[%mul3A_2, %dma_wait3A_25] : memref<64x256xf32, #tpu.memory_space<hbm>> -> memref<8x256xf32, #tpu.memory_space<hbm>>
      %dma_wait3A_27 = arith.constant 0 : i32
      %dma_wait3A_28 = tpu.memref_slice %arg6[%mul3A_2, %dma_wait3A_27] : memref<64x256xf32, #tpu.memory_space<hbm>> -> memref<8x256xf32, #tpu.memory_space<hbm>>
      tpu.wait_dma2 semaphore(%arg11 : memref<!tpu.dma_semaphore, #tpu.memory_space<semaphore_mem>>) src(%arg9 : memref<8x256xf32, #tpu.memory_space<vmem>>) dst(%dma_wait3A_28 : memref<8x256xf32, #tpu.memory_space<hbm>>)
    } else {
    }
    return
  }
}

module attributes {stable_mosaic.version = 14 : i64} {
  func.func @_film_body(%arg0: i32, %arg1: memref<8x1024x256xf32, #tpu.memory_space<vmem>>, %arg2: memref<64x256xf32, #tpu.memory_space<vmem>>, %arg3: memref<64x256xf32, #tpu.memory_space<vmem>>, %arg4: memref<8x1024x256xf32, #tpu.memory_space<vmem>>) attributes {dimension_semantics = [#tpu.dimension_semantics<arbitrary>], iteration_bounds = array<i64: 8>, scalar_prefetch = 0 : i64, scratch_operands = 0 : i64, tpu.core_type = #tpu.core_type<tc>, window_params = [{transform_indices = @transform_0, window_bounds = array<i64: 8, 1024, 256>}, {pipeline_mode = #tpu.pipeline_mode<synchronous>, transform_indices = @transform_1, window_bounds = array<i64: 64, 256>}, {pipeline_mode = #tpu.pipeline_mode<synchronous>, transform_indices = @transform_2, window_bounds = array<i64: 64, 256>}, {transform_indices = @transform_3, window_bounds = array<i64: 8, 1024, 256>}]} {
    %mul3A = arith.constant 8 : i32
    %mul3A_0 = arith.muli %arg0, %mul3A : i32
    %add3A = arith.constant 0 : i32
    %add3A_1 = arith.addi %mul3A_0, %add3A : i32
    %get3A = arith.index_cast %add3A_1 : i32 to index
    %get3A_2 = arith.constant 0 : index
    %get3A_3 = vector.load %arg2[%get3A, %get3A_2] : memref<64x256xf32, #tpu.memory_space<vmem>>, vector<1x256xf32>
    %get3A_4 = vector.shape_cast %get3A_3 : vector<1x256xf32> to vector<256xf32>
    %mul3A_5 = arith.constant 8 : i32
    %mul3A_6 = arith.muli %arg0, %mul3A_5 : i32
    %add3A_7 = arith.constant 0 : i32
    %add3A_8 = arith.addi %mul3A_6, %add3A_7 : i32
    %get3A_9 = arith.index_cast %add3A_8 : i32 to index
    %get3A_10 = arith.constant 0 : index
    %get3A_11 = vector.load %arg3[%get3A_9, %get3A_10] : memref<64x256xf32, #tpu.memory_space<vmem>>, vector<1x256xf32>
    %get3A_12 = vector.shape_cast %get3A_11 : vector<1x256xf32> to vector<256xf32>
    %get3A_13 = arith.constant 0 : index
    %get3A_14 = arith.constant 0 : index
    %get3A_15 = arith.constant 0 : index
    %get3A_16 = vector.load %arg1[%get3A_13, %get3A_14, %get3A_15] : memref<8x1024x256xf32, #tpu.memory_space<vmem>>, vector<1x1024x256xf32>
    %get3A_17 = vector.shape_cast %get3A_16 : vector<1x1024x256xf32> to vector<1024x256xf32>
    %broadcast_in_dim3A = vector.shape_cast %get3A_4 : vector<256xf32> to vector<1x256xf32>
    %mul3A_18 = vector.broadcast %broadcast_in_dim3A : vector<1x256xf32> to vector<1024x256xf32>
    %mul3A_19 = arith.mulf %get3A_17, %mul3A_18 : vector<1024x256xf32>
    %broadcast_in_dim3A_20 = vector.shape_cast %get3A_12 : vector<256xf32> to vector<1x256xf32>
    %add3A_21 = vector.broadcast %broadcast_in_dim3A_20 : vector<1x256xf32> to vector<1024x256xf32>
    %add3A_22 = arith.addf %mul3A_19, %add3A_21 : vector<1024x256xf32>
    %swap3A = arith.constant 0 : index
    %swap3A_23 = arith.constant 0 : index
    %swap3A_24 = arith.constant 0 : index
    %swap3A_25 = vector.load %arg4[%swap3A, %swap3A_23, %swap3A_24] : memref<8x1024x256xf32, #tpu.memory_space<vmem>>, vector<1x1024x256xf32>
    %swap3A_26 = vector.shape_cast %swap3A_25 : vector<1x1024x256xf32> to vector<1024x256xf32>
    %swap3A_27 = vector.shape_cast %add3A_22 : vector<1024x256xf32> to vector<1x1024x256xf32>
    tpu.vector_store %arg4[%swap3A, %swap3A_23, %swap3A_24], %swap3A_27 {strides = array<i32>} : memref<8x1024x256xf32, #tpu.memory_space<vmem>>, vector<1x1024x256xf32>,
    %mul3A_28 = arith.constant 8 : i32
    %mul3A_29 = arith.muli %arg0, %mul3A_28 : i32
    %add3A_30 = arith.constant 1 : i32
    %add3A_31 = arith.addi %mul3A_29, %add3A_30 : i32
    %get3A_32 = arith.index_cast %add3A_31 : i32 to index
    %get3A_33 = arith.constant 0 : index
    %get3A_34 = vector.load %arg2[%get3A_32, %get3A_33] : memref<64x256xf32, #tpu.memory_space<vmem>>, vector<1x256xf32>
    %get3A_35 = vector.shape_cast %get3A_34 : vector<1x256xf32> to vector<256xf32>
    %mul3A_36 = arith.constant 8 : i32
    %mul3A_37 = arith.muli %arg0, %mul3A_36 : i32
    %add3A_38 = arith.constant 1 : i32
    %add3A_39 = arith.addi %mul3A_37, %add3A_38 : i32
    %get3A_40 = arith.index_cast %add3A_39 : i32 to index
    %get3A_41 = arith.constant 0 : index
    %get3A_42 = vector.load %arg3[%get3A_40, %get3A_41] : memref<64x256xf32, #tpu.memory_space<vmem>>, vector<1x256xf32>
    %get3A_43 = vector.shape_cast %get3A_42 : vector<1x256xf32> to vector<256xf32>
    %get3A_44 = arith.constant 1 : index
    %get3A_45 = arith.constant 0 : index
    %get3A_46 = arith.constant 0 : index
    %get3A_47 = vector.load %arg1[%get3A_44, %get3A_45, %get3A_46] : memref<8x1024x256xf32, #tpu.memory_space<vmem>>, vector<1x1024x256xf32>
    %get3A_48 = vector.shape_cast %get3A_47 : vector<1x1024x256xf32> to vector<1024x256xf32>
    %broadcast_in_dim3A_49 = vector.shape_cast %get3A_35 : vector<256xf32> to vector<1x256xf32>
    %mul3A_50 = vector.broadcast %broadcast_in_dim3A_49 : vector<1x256xf32> to vector<1024x256xf32>
    %mul3A_51 = arith.mulf %get3A_48, %mul3A_50 : vector<1024x256xf32>
    %broadcast_in_dim3A_52 = vector.shape_cast %get3A_43 : vector<256xf32> to vector<1x256xf32>
    %add3A_53 = vector.broadcast %broadcast_in_dim3A_52 : vector<1x256xf32> to vector<1024x256xf32>
    %add3A_54 = arith.addf %mul3A_51, %add3A_53 : vector<1024x256xf32>
    %swap3A_55 = arith.constant 1 : index
    %swap3A_56 = arith.constant 0 : index
    %swap3A_57 = arith.constant 0 : index
    %swap3A_58 = vector.load %arg4[%swap3A_55, %swap3A_56, %swap3A_57] : memref<8x1024x256xf32, #tpu.memory_space<vmem>>, vector<1x1024x256xf32>
    %swap3A_59 = vector.shape_cast %swap3A_58 : vector<1x1024x256xf32> to vector<1024x256xf32>
    %swap3A_60 = vector.shape_cast %add3A_54 : vector<1024x256xf32> to vector<1x1024x256xf32>
    tpu.vector_store %arg4[%swap3A_55, %swap3A_56, %swap3A_57], %swap3A_60 {strides = array<i32>} : memref<8x1024x256xf32, #tpu.memory_space<vmem>>, vector<1x1024x256xf32>,
    %mul3A_61 = arith.constant 8 : i32
    %mul3A_62 = arith.muli %arg0, %mul3A_61 : i32
    %add3A_63 = arith.constant 2 : i32
    %add3A_64 = arith.addi %mul3A_62, %add3A_63 : i32
    %get3A_65 = arith.index_cast %add3A_64 : i32 to index
    %get3A_66 = arith.constant 0 : index
    %get3A_67 = vector.load %arg2[%get3A_65, %get3A_66] : memref<64x256xf32, #tpu.memory_space<vmem>>, vector<1x256xf32>
    %get3A_68 = vector.shape_cast %get3A_67 : vector<1x256xf32> to vector<256xf32>
    %mul3A_69 = arith.constant 8 : i32
    %mul3A_70 = arith.muli %arg0, %mul3A_69 : i32
    %add3A_71 = arith.constant 2 : i32
    %add3A_72 = arith.addi %mul3A_70, %add3A_71 : i32
    %get3A_73 = arith.index_cast %add3A_72 : i32 to index
    %get3A_74 = arith.constant 0 : index
    %get3A_75 = vector.load %arg3[%get3A_73, %get3A_74] : memref<64x256xf32, #tpu.memory_space<vmem>>, vector<1x256xf32>
    %get3A_76 = vector.shape_cast %get3A_75 : vector<1x256xf32> to vector<256xf32>
    %get3A_77 = arith.constant 2 : index
    %get3A_78 = arith.constant 0 : index
    %get3A_79 = arith.constant 0 : index
    %get3A_80 = vector.load %arg1[%get3A_77, %get3A_78, %get3A_79] : memref<8x1024x256xf32, #tpu.memory_space<vmem>>, vector<1x1024x256xf32>
    %get3A_81 = vector.shape_cast %get3A_80 : vector<1x1024x256xf32> to vector<1024x256xf32>
    %broadcast_in_dim3A_82 = vector.shape_cast %get3A_68 : vector<256xf32> to vector<1x256xf32>
    %mul3A_83 = vector.broadcast %broadcast_in_dim3A_82 : vector<1x256xf32> to vector<1024x256xf32>
    %mul3A_84 = arith.mulf %get3A_81, %mul3A_83 : vector<1024x256xf32>
    %broadcast_in_dim3A_85 = vector.shape_cast %get3A_76 : vector<256xf32> to vector<1x256xf32>
    %add3A_86 = vector.broadcast %broadcast_in_dim3A_85 : vector<1x256xf32> to vector<1024x256xf32>
    %add3A_87 = arith.addf %mul3A_84, %add3A_86 : vector<1024x256xf32>
    %swap3A_88 = arith.constant 2 : index
    %swap3A_89 = arith.constant 0 : index
    %swap3A_90 = arith.constant 0 : index
    %swap3A_91 = vector.load %arg4[%swap3A_88, %swap3A_89, %swap3A_90] : memref<8x1024x256xf32, #tpu.memory_space<vmem>>, vector<1x1024x256xf32>
    %swap3A_92 = vector.shape_cast %swap3A_91 : vector<1x1024x256xf32> to vector<1024x256xf32>
    %swap3A_93 = vector.shape_cast %add3A_87 : vector<1024x256xf32> to vector<1x1024x256xf32>
    tpu.vector_store %arg4[%swap3A_88, %swap3A_89, %swap3A_90], %swap3A_93 {strides = array<i32>} : memref<8x1024x256xf32, #tpu.memory_space<vmem>>, vector<1x1024x256xf32>,
    %mul3A_94 = arith.constant 8 : i32
    %mul3A_95 = arith.muli %arg0, %mul3A_94 : i32
    %add3A_96 = arith.constant 3 : i32
    %add3A_97 = arith.addi %mul3A_95, %add3A_96 : i32
    %get3A_98 = arith.index_cast %add3A_97 : i32 to index
    %get3A_99 = arith.constant 0 : index
    %get3A_100 = vector.load %arg2[%get3A_98, %get3A_99] : memref<64x256xf32, #tpu.memory_space<vmem>>, vector<1x256xf32>
    %get3A_101 = vector.shape_cast %get3A_100 : vector<1x256xf32> to vector<256xf32>
    %mul3A_102 = arith.constant 8 : i32
    %mul3A_103 = arith.muli %arg0, %mul3A_102 : i32
    %add3A_104 = arith.constant 3 : i32
    %add3A_105 = arith.addi %mul3A_103, %add3A_104 : i32
    %get3A_106 = arith.index_cast %add3A_105 : i32 to index
    %get3A_107 = arith.constant 0 : index
    %get3A_108 = vector.load %arg3[%get3A_106, %get3A_107] : memref<64x256xf32, #tpu.memory_space<vmem>>, vector<1x256xf32>
    %get3A_109 = vector.shape_cast %get3A_108 : vector<1x256xf32> to vector<256xf32>
    %get3A_110 = arith.constant 3 : index
    %get3A_111 = arith.constant 0 : index
    %get3A_112 = arith.constant 0 : index
    %get3A_113 = vector.load %arg1[%get3A_110, %get3A_111, %get3A_112] : memref<8x1024x256xf32, #tpu.memory_space<vmem>>, vector<1x1024x256xf32>
    %get3A_114 = vector.shape_cast %get3A_113 : vector<1x1024x256xf32> to vector<1024x256xf32>
    %broadcast_in_dim3A_115 = vector.shape_cast %get3A_101 : vector<256xf32> to vector<1x256xf32>
    %mul3A_116 = vector.broadcast %broadcast_in_dim3A_115 : vector<1x256xf32> to vector<1024x256xf32>
    %mul3A_117 = arith.mulf %get3A_114, %mul3A_116 : vector<1024x256xf32>
    %broadcast_in_dim3A_118 = vector.shape_cast %get3A_109 : vector<256xf32> to vector<1x256xf32>
    %add3A_119 = vector.broadcast %broadcast_in_dim3A_118 : vector<1x256xf32> to vector<1024x256xf32>
    %add3A_120 = arith.addf %mul3A_117, %add3A_119 : vector<1024x256xf32>
    %swap3A_121 = arith.constant 3 : index
    %swap3A_122 = arith.constant 0 : index
    %swap3A_123 = arith.constant 0 : index
    %swap3A_124 = vector.load %arg4[%swap3A_121, %swap3A_122, %swap3A_123] : memref<8x1024x256xf32, #tpu.memory_space<vmem>>, vector<1x1024x256xf32>
    %swap3A_125 = vector.shape_cast %swap3A_124 : vector<1x1024x256xf32> to vector<1024x256xf32>
    %swap3A_126 = vector.shape_cast %add3A_120 : vector<1024x256xf32> to vector<1x1024x256xf32>
    tpu.vector_store %arg4[%swap3A_121, %swap3A_122, %swap3A_123], %swap3A_126 {strides = array<i32>} : memref<8x1024x256xf32, #tpu.memory_space<vmem>>, vector<1x1024x256xf32>,
    %mul3A_127 = arith.constant 8 : i32
    %mul3A_128 = arith.muli %arg0, %mul3A_127 : i32
    %add3A_129 = arith.constant 4 : i32
    %add3A_130 = arith.addi %mul3A_128, %add3A_129 : i32
    %get3A_131 = arith.index_cast %add3A_130 : i32 to index
    %get3A_132 = arith.constant 0 : index
    %get3A_133 = vector.load %arg2[%get3A_131, %get3A_132] : memref<64x256xf32, #tpu.memory_space<vmem>>, vector<1x256xf32>
    %get3A_134 = vector.shape_cast %get3A_133 : vector<1x256xf32> to vector<256xf32>
    %mul3A_135 = arith.constant 8 : i32
    %mul3A_136 = arith.muli %arg0, %mul3A_135 : i32
    %add3A_137 = arith.constant 4 : i32
    %add3A_138 = arith.addi %mul3A_136, %add3A_137 : i32
    %get3A_139 = arith.index_cast %add3A_138 : i32 to index
    %get3A_140 = arith.constant 0 : index
    %get3A_141 = vector.load %arg3[%get3A_139, %get3A_140] : memref<64x256xf32, #tpu.memory_space<vmem>>, vector<1x256xf32>
    %get3A_142 = vector.shape_cast %get3A_141 : vector<1x256xf32> to vector<256xf32>
    %get3A_143 = arith.constant 4 : index
    %get3A_144 = arith.constant 0 : index
    %get3A_145 = arith.constant 0 : index
    %get3A_146 = vector.load %arg1[%get3A_143, %get3A_144, %get3A_145] : memref<8x1024x256xf32, #tpu.memory_space<vmem>>, vector<1x1024x256xf32>
    %get3A_147 = vector.shape_cast %get3A_146 : vector<1x1024x256xf32> to vector<1024x256xf32>
    %broadcast_in_dim3A_148 = vector.shape_cast %get3A_134 : vector<256xf32> to vector<1x256xf32>
    %mul3A_149 = vector.broadcast %broadcast_in_dim3A_148 : vector<1x256xf32> to vector<1024x256xf32>
    %mul3A_150 = arith.mulf %get3A_147, %mul3A_149 : vector<1024x256xf32>
    %broadcast_in_dim3A_151 = vector.shape_cast %get3A_142 : vector<256xf32> to vector<1x256xf32>
    %add3A_152 = vector.broadcast %broadcast_in_dim3A_151 : vector<1x256xf32> to vector<1024x256xf32>
    %add3A_153 = arith.addf %mul3A_150, %add3A_152 : vector<1024x256xf32>
    %swap3A_154 = arith.constant 4 : index
    %swap3A_155 = arith.constant 0 : index
    %swap3A_156 = arith.constant 0 : index
    %swap3A_157 = vector.load %arg4[%swap3A_154, %swap3A_155, %swap3A_156] : memref<8x1024x256xf32, #tpu.memory_space<vmem>>, vector<1x1024x256xf32>
    %swap3A_158 = vector.shape_cast %swap3A_157 : vector<1x1024x256xf32> to vector<1024x256xf32>
    %swap3A_159 = vector.shape_cast %add3A_153 : vector<1024x256xf32> to vector<1x1024x256xf32>
    tpu.vector_store %arg4[%swap3A_154, %swap3A_155, %swap3A_156], %swap3A_159 {strides = array<i32>} : memref<8x1024x256xf32, #tpu.memory_space<vmem>>, vector<1x1024x256xf32>,
    %mul3A_160 = arith.constant 8 : i32
    %mul3A_161 = arith.muli %arg0, %mul3A_160 : i32
    %add3A_162 = arith.constant 5 : i32
    %add3A_163 = arith.addi %mul3A_161, %add3A_162 : i32
    %get3A_164 = arith.index_cast %add3A_163 : i32 to index
    %get3A_165 = arith.constant 0 : index
    %get3A_166 = vector.load %arg2[%get3A_164, %get3A_165] : memref<64x256xf32, #tpu.memory_space<vmem>>, vector<1x256xf32>
    %get3A_167 = vector.shape_cast %get3A_166 : vector<1x256xf32> to vector<256xf32>
    %mul3A_168 = arith.constant 8 : i32
    %mul3A_169 = arith.muli %arg0, %mul3A_168 : i32
    %add3A_170 = arith.constant 5 : i32
    %add3A_171 = arith.addi %mul3A_169, %add3A_170 : i32
    %get3A_172 = arith.index_cast %add3A_171 : i32 to index
    %get3A_173 = arith.constant 0 : index
    %get3A_174 = vector.load %arg3[%get3A_172, %get3A_173] : memref<64x256xf32, #tpu.memory_space<vmem>>, vector<1x256xf32>
    %get3A_175 = vector.shape_cast %get3A_174 : vector<1x256xf32> to vector<256xf32>
    %get3A_176 = arith.constant 5 : index
    %get3A_177 = arith.constant 0 : index
    %get3A_178 = arith.constant 0 : index
    %get3A_179 = vector.load %arg1[%get3A_176, %get3A_177, %get3A_178] : memref<8x1024x256xf32, #tpu.memory_space<vmem>>, vector<1x1024x256xf32>
    %get3A_180 = vector.shape_cast %get3A_179 : vector<1x1024x256xf32> to vector<1024x256xf32>
    %broadcast_in_dim3A_181 = vector.shape_cast %get3A_167 : vector<256xf32> to vector<1x256xf32>
    %mul3A_182 = vector.broadcast %broadcast_in_dim3A_181 : vector<1x256xf32> to vector<1024x256xf32>
    %mul3A_183 = arith.mulf %get3A_180, %mul3A_182 : vector<1024x256xf32>
    %broadcast_in_dim3A_184 = vector.shape_cast %get3A_175 : vector<256xf32> to vector<1x256xf32>
    %add3A_185 = vector.broadcast %broadcast_in_dim3A_184 : vector<1x256xf32> to vector<1024x256xf32>
    %add3A_186 = arith.addf %mul3A_183, %add3A_185 : vector<1024x256xf32>
    %swap3A_187 = arith.constant 5 : index
    %swap3A_188 = arith.constant 0 : index
    %swap3A_189 = arith.constant 0 : index
    %swap3A_190 = vector.load %arg4[%swap3A_187, %swap3A_188, %swap3A_189] : memref<8x1024x256xf32, #tpu.memory_space<vmem>>, vector<1x1024x256xf32>
    %swap3A_191 = vector.shape_cast %swap3A_190 : vector<1x1024x256xf32> to vector<1024x256xf32>
    %swap3A_192 = vector.shape_cast %add3A_186 : vector<1024x256xf32> to vector<1x1024x256xf32>
    tpu.vector_store %arg4[%swap3A_187, %swap3A_188, %swap3A_189], %swap3A_192 {strides = array<i32>} : memref<8x1024x256xf32, #tpu.memory_space<vmem>>, vector<1x1024x256xf32>,
    %mul3A_193 = arith.constant 8 : i32
    %mul3A_194 = arith.muli %arg0, %mul3A_193 : i32
    %add3A_195 = arith.constant 6 : i32
    %add3A_196 = arith.addi %mul3A_194, %add3A_195 : i32
    %get3A_197 = arith.index_cast %add3A_196 : i32 to index
    %get3A_198 = arith.constant 0 : index
    %get3A_199 = vector.load %arg2[%get3A_197, %get3A_198] : memref<64x256xf32, #tpu.memory_space<vmem>>, vector<1x256xf32>
    %get3A_200 = vector.shape_cast %get3A_199 : vector<1x256xf32> to vector<256xf32>
    %mul3A_201 = arith.constant 8 : i32
    %mul3A_202 = arith.muli %arg0, %mul3A_201 : i32
    %add3A_203 = arith.constant 6 : i32
    %add3A_204 = arith.addi %mul3A_202, %add3A_203 : i32
    %get3A_205 = arith.index_cast %add3A_204 : i32 to index
    %get3A_206 = arith.constant 0 : index
    %get3A_207 = vector.load %arg3[%get3A_205, %get3A_206] : memref<64x256xf32, #tpu.memory_space<vmem>>, vector<1x256xf32>
    %get3A_208 = vector.shape_cast %get3A_207 : vector<1x256xf32> to vector<256xf32>
    %get3A_209 = arith.constant 6 : index
    %get3A_210 = arith.constant 0 : index
    %get3A_211 = arith.constant 0 : index
    %get3A_212 = vector.load %arg1[%get3A_209, %get3A_210, %get3A_211] : memref<8x1024x256xf32, #tpu.memory_space<vmem>>, vector<1x1024x256xf32>
    %get3A_213 = vector.shape_cast %get3A_212 : vector<1x1024x256xf32> to vector<1024x256xf32>
    %broadcast_in_dim3A_214 = vector.shape_cast %get3A_200 : vector<256xf32> to vector<1x256xf32>
    %mul3A_215 = vector.broadcast %broadcast_in_dim3A_214 : vector<1x256xf32> to vector<1024x256xf32>
    %mul3A_216 = arith.mulf %get3A_213, %mul3A_215 : vector<1024x256xf32>
    %broadcast_in_dim3A_217 = vector.shape_cast %get3A_208 : vector<256xf32> to vector<1x256xf32>
    %add3A_218 = vector.broadcast %broadcast_in_dim3A_217 : vector<1x256xf32> to vector<1024x256xf32>
    %add3A_219 = arith.addf %mul3A_216, %add3A_218 : vector<1024x256xf32>
    %swap3A_220 = arith.constant 6 : index
    %swap3A_221 = arith.constant 0 : index
    %swap3A_222 = arith.constant 0 : index
    %swap3A_223 = vector.load %arg4[%swap3A_220, %swap3A_221, %swap3A_222] : memref<8x1024x256xf32, #tpu.memory_space<vmem>>, vector<1x1024x256xf32>
    %swap3A_224 = vector.shape_cast %swap3A_223 : vector<1x1024x256xf32> to vector<1024x256xf32>
    %swap3A_225 = vector.shape_cast %add3A_219 : vector<1024x256xf32> to vector<1x1024x256xf32>
    tpu.vector_store %arg4[%swap3A_220, %swap3A_221, %swap3A_222], %swap3A_225 {strides = array<i32>} : memref<8x1024x256xf32, #tpu.memory_space<vmem>>, vector<1x1024x256xf32>,
    %mul3A_226 = arith.constant 8 : i32
    %mul3A_227 = arith.muli %arg0, %mul3A_226 : i32
    %add3A_228 = arith.constant 7 : i32
    %add3A_229 = arith.addi %mul3A_227, %add3A_228 : i32
    %get3A_230 = arith.index_cast %add3A_229 : i32 to index
    %get3A_231 = arith.constant 0 : index
    %get3A_232 = vector.load %arg2[%get3A_230, %get3A_231] : memref<64x256xf32, #tpu.memory_space<vmem>>, vector<1x256xf32>
    %get3A_233 = vector.shape_cast %get3A_232 : vector<1x256xf32> to vector<256xf32>
    %mul3A_234 = arith.constant 8 : i32
    %mul3A_235 = arith.muli %arg0, %mul3A_234 : i32
    %add3A_236 = arith.constant 7 : i32
    %add3A_237 = arith.addi %mul3A_235, %add3A_236 : i32
    %get3A_238 = arith.index_cast %add3A_237 : i32 to index
    %get3A_239 = arith.constant 0 : index
    %get3A_240 = vector.load %arg3[%get3A_238, %get3A_239] : memref<64x256xf32, #tpu.memory_space<vmem>>, vector<1x256xf32>
    %get3A_241 = vector.shape_cast %get3A_240 : vector<1x256xf32> to vector<256xf32>
    %get3A_242 = arith.constant 7 : index
    %get3A_243 = arith.constant 0 : index
    %get3A_244 = arith.constant 0 : index
    %get3A_245 = vector.load %arg1[%get3A_242, %get3A_243, %get3A_244] : memref<8x1024x256xf32, #tpu.memory_space<vmem>>, vector<1x1024x256xf32>
    %get3A_246 = vector.shape_cast %get3A_245 : vector<1x1024x256xf32> to vector<1024x256xf32>
    %broadcast_in_dim3A_247 = vector.shape_cast %get3A_233 : vector<256xf32> to vector<1x256xf32>
    %mul3A_248 = vector.broadcast %broadcast_in_dim3A_247 : vector<1x256xf32> to vector<1024x256xf32>
    %mul3A_249 = arith.mulf %get3A_246, %mul3A_248 : vector<1024x256xf32>
    %broadcast_in_dim3A_250 = vector.shape_cast %get3A_241 : vector<256xf32> to vector<1x256xf32>
    %add3A_251 = vector.broadcast %broadcast_in_dim3A_250 : vector<1x256xf32> to vector<1024x256xf32>
    %add3A_252 = arith.addf %mul3A_249, %add3A_251 : vector<1024x256xf32>
    %swap3A_253 = arith.constant 7 : index
    %swap3A_254 = arith.constant 0 : index
    %swap3A_255 = arith.constant 0 : index
    %swap3A_256 = vector.load %arg4[%swap3A_253, %swap3A_254, %swap3A_255] : memref<8x1024x256xf32, #tpu.memory_space<vmem>>, vector<1x1024x256xf32>
    %swap3A_257 = vector.shape_cast %swap3A_256 : vector<1x1024x256xf32> to vector<1024x256xf32>
    %swap3A_258 = vector.shape_cast %add3A_252 : vector<1024x256xf32> to vector<1x1024x256xf32>
    tpu.vector_store %arg4[%swap3A_253, %swap3A_254, %swap3A_255], %swap3A_258 {strides = array<i32>} : memref<8x1024x256xf32, #tpu.memory_space<vmem>>, vector<1x1024x256xf32>,
    return
  }
  func.func @transform_0(%arg0: i32) -> (i32, i32, i32) {
    %c0_i32 = arith.constant 0 : i32
    %c0_i32_0 = arith.constant 0 : i32
    %c0_i32_1 = arith.constant 0 : i32
    return %arg0, %c0_i32, %c0_i32_0 : i32, i32, i32
  }
  func.func @transform_1(%arg0: i32) -> (i32, i32) {
    %c0_i32 = arith.constant 0 : i32
    %c0_i32_0 = arith.constant 0 : i32
    %c0_i32_1 = arith.constant 0 : i32
    return %c0_i32, %c0_i32_0 : i32, i32
  }
  func.func @transform_2(%arg0: i32) -> (i32, i32) {
    %c0_i32 = arith.constant 0 : i32
    %c0_i32_0 = arith.constant 0 : i32
    %c0_i32_1 = arith.constant 0 : i32
    return %c0_i32, %c0_i32_0 : i32, i32
  }
  func.func @transform_3(%arg0: i32) -> (i32, i32, i32) {
    %c0_i32 = arith.constant 0 : i32
    %c0_i32_0 = arith.constant 0 : i32
    %c0_i32_1 = arith.constant 0 : i32
    return %arg0, %c0_i32, %c0_i32_0 : i32, i32, i32
  }
}

</mosaic_0001>

<sc_bundles>
// kernel: kernel.4.cloned.1.call-start
scs
__scs_entry_jumppad:
0x0: {  	(pc) =	sbr.rel $0x88, $3  }
0x1: {  	(tag) =	ssettag $0x0;
	lr =	simm.s32 $0x1  }
0x2: {  	[smem:$0x3F9D] =	sst lr;
	_ =	strace $0xD0000000  }
0x3: {  	_ = 	snop  }
0x4: {  	_ = 	snop  }
0x5: {  	_ = 	snop  }
0x6: {  	_ = 	snop  }
0x7: {  	_ = 	snop  }
__scs_overlays_trampoline_lowered:
0x8: {  	[smem:$0x3FAC] =	sst s0  }
0x9: {  	[smem:$0x3FAD] =	sst s1  }
0xa: {  	[smem:$0x3FAE] =	sst s2  }
0xb: {  	[smem:$0x3FAF] =	sst s3  }
0xc: {  	[smem:$0x3FB0] =	sst s4  }
0xd: {  	[smem:$0x3FB1] =	sst s5  }
0xe: {  	[smem:$0x3FB2] =	sst s6  }
0xf: {  	[smem:$0x3FB3] =	sst s7  }
0x10: {  	[smem:$0x3FB4] =	sst s8  }
0x11: {  	[smem:$0x3FB5] =	sst s9;
	s0 =	simm.s32 @!p0 $0x0  }
0x12: {  	s1 =	sld [smem:$0x3F9B];
	s0 =	simm.s32 @p0 $0x1  }
0x13: {  	[smem:$0x3FB6] =	sst s0;
	s0 =	simm.s32 @!p1 $0x0  }
0x14: {  	s2 =	sld [smem:$0x3F9A];
	s0 =	simm.s32 @p1 $0x1  }
0x15: {  	[smem:$0x3FB7] =	sst s0;
	s0 =	simm.s32 @!p2 $0x0  }
0x16: {  	s3 =	sld [smem:$0x3FDB];
	s0 =	simm.s32 @p2 $0x1  }
0x17: {  	s4 =	simm.s32 $0x1BF5;
	[smem:$0x3FB9] =	sst s0  }
0x18: {  	s0 =	sld [smem:$0x3F9C];
	_ =	swait.ge [sflag:s4], $0x0  }
0x19: {  	s7 =	sld [smem:$0x3F9D]  }
0x1a: {  	s8 =	sadd.s32 $0xFFFFE003, lr  }
0x1b: {  	s9 =	sadd.s32 $0xFFFFFEF7, lr;
	s5 =	simm.s32 $0xFFFFFFFF;
	p2 =	slt.u32 s8, $0xFFFFF086  }
0x1c: {  	p1 =	slt.u32 s9, $0xF7A;
	s5 =	simm.s32 @!p2 $0x0  }
0x1d: {  	s5 =	simm.s32 @p1 $0x1;
	p0 =	seq.s32 s7, s2  }
0x1e: {  	s7 =	smul.u32 @!p0 $0xF7A, s2;
	p2 =	seq.s32 @!p0 s5, $0x0  }
0x1f: {  	s9 =	smul.u32 $0xF7A, s1;
	s8 =	simm.s32 @!p0 $0x1BF5;
	p2 =	por !p2, p0  }
0x20: {  	[sflag:s8] =	ssyncset.s32 @!p0 $0xFFFFF086;
	s6 =	sadd.s32 @!p0 s3, s7;
	s7 =	simm.s32 @!p0 $0x108  }
0x21: {  	s3 =	sadd.s32 s3, s9;
	s6 =	sadd.s32 @!p0 $0x88, s6;
	s7 =	simm.s32 @p2 $0x1082  }
0x22: {  	[simem:s7], [sflag:s8] =	dma.local @!p0 [hbm:s6], $0xF7A  }
0x23: {  	s9 =	sor.u32 $0xD0000000, s2;
	s6 =	simm.s32 $0x108;
	_ =	swait.ge @!p0 [sflag:s8], $0x0  }
0x24: {  	s3 =	sadd.s32 $0x88, s3;
	s6 =	simm.s32 @!p1 $0x1082;
	[sflag:s4] =	ssyncset.s32 $0xFFFFF086  }
0x25: {  	[simem:s6], [sflag:s4] =	dma.local [hbm:s3], $0xF7A  }
0x26: {  	[smem:$0x3F9D] =	sst s1;
	(tag) =	ssettag s2;
	_ =	strace s9  }
0x27: {  	s1 =	sld [smem:$0x3FAD]  }
0x28: {  	s2 =	sld [smem:$0x3FAE]  }
0x29: {  	s4 =	sld [smem:$0x3FB0]  }
0x2a: {  	p0 =	seq.s32 s5, $0x0;
	s5 =	sld [smem:$0x3FB1]  }
0x2b: {  	s6 =	sld [smem:$0x3FB2]  }
0x2c: {  	s7 =	sld [smem:$0x3FB3]  }
0x2d: {  	s3 =	simm.s32 $0x108;
	s8 =	sld [smem:$0x3FB4]  }
0x2e: {  	s3 =	simm.s32 @!p0 $0x1082;
	s9 =	sld [smem:$0x3FB5]  }
0x2f: {  	lr =	sadd.s32 s0, s3;
	s0 =	sld [smem:$0x3FAC]  }
0x30: {  	s3 =	sld [smem:$0x3FAF]  }
0x31: {  	[smem:$0x3FB8] =	sst s10  }
0x32: {  	s10 =	sld [smem:$0x3FB6];
	_ =	sdelay $0x3  }
0x33: {  	p0 =	seq.s32 s10, $0x1;
	s10 =	sld [smem:$0x3FB8];
	_ =	sdelay $0x3  }
0x34: {  	[smem:$0x3FB8] =	sst s10  }
0x35: {  	s10 =	sld [smem:$0x3FB7];
	_ =	sdelay $0x3  }
0x36: {  	p1 =	seq.s32 s10, $0x1;
	s10 =	sld [smem:$0x3FB8];
	_ =	sdelay $0x3  }
0x37: {  	[smem:$0x3FB8] =	sst s10  }
0x38: {  	s10 =	sld [smem:$0x3FB9]  }
0x39: {  	_ = 	snop;
	(pc) =	sbr.ind lr, $3  }
0x3a: {  	_ = 	snop  }
0x3b: {  	_ = 	snop  }
0x3c: {  	p2 =	seq.s32 s10, $0x1;
	s10 =	sld [smem:$0x3FB8]  }
0x3d: {  	_ =	shalt  }
0x3e: {  	_ =	shalt  }
0x3f: {  	_ =	shalt  }
0x40: {  	_ =	shalt  }
0x41: {  	_ =	shalt  }
0x42: {  	_ =	shalt  }
0x43: {  	_ =	shalt  }
0x44: {  	_ =	shalt  }
0x45: {  	_ =	shalt  }
0x46: {  	_ =	shalt  }
0x47: {  	_ =	shalt  }
0x48: {  	_ =	shalt  }
0x49: {  	_ =	shalt  }
0x4a: {  	_ =	shalt  }
0x4b: {  	_ =	shalt  }
0x4c: {  	_ =	shalt  }
0x4d: {  	_ =	shalt  }
0x4e: {  	_ =	shalt  }
0x4f: {  	_ =	shalt  }
0x50: {  	_ =	shalt  }
0x51: {  	_ =	shalt  }
0x52: {  	_ =	shalt  }
0x53: {  	_ =	shalt  }
0x54: {  	_ =	shalt  }
0x55: {  	_ =	shalt  }
0x56: {  	_ =	shalt  }
0x57: {  	_ =	shalt  }
0x58: {  	_ =	shalt  }
0x59: {  	_ =	shalt  }
0x5a: {  	_ =	shalt  }
0x5b: {  	_ =	shalt  }
0x5c: {  	_ =	shalt  }
0x5d: {  	_ =	shalt  }
0x5e: {  	_ =	shalt  }
0x5f: {  	_ =	shalt  }
0x60: {  	_ =	shalt  }
0x61: {  	_ =	shalt  }
0x62: {  	_ =	shalt  }
0x63: {  	_ =	shalt  }
0x64: {  	_ =	shalt  }
0x65: {  	_ =	shalt  }
0x66: {  	_ =	shalt  }
0x67: {  	_ =	shalt  }
0x68: {  	_ =	shalt  }
0x69: {  	_ =	shalt  }
0x6a: {  	_ =	shalt  }
0x6b: {  	_ =	shalt  }
0x6c: {  	_ =	shalt  }
0x6d: {  	_ =	shalt  }
0x6e: {  	_ =	shalt  }
0x6f: {  	_ =	shalt  }
0x70: {  	_ =	shalt  }
0x71: {  	_ =	shalt  }
0x72: {  	_ =	shalt  }
0x73: {  	_ =	shalt  }
0x74: {  	_ =	shalt  }
0x75: {  	_ =	shalt  }
0x76: {  	_ =	shalt  }
0x77: {  	_ =	shalt  }
0x78: {  	_ =	shalt  }
0x79: {  	_ =	shalt  }
0x7a: {  	_ =	shalt  }
0x7b: {  	_ =	shalt  }
0x7c: {  	_ =	shalt  }
0x7d: {  	_ =	shalt  }
0x7e: {  	_ =	shalt  }
0x7f: {  	_ =	shalt  }
0x80: {  	_ =	shalt  }
0x81: {  	_ =	shalt  }
0x82: {  	_ =	shalt  }
0x83: {  	_ =	shalt  }
0x84: {  	_ =	shalt  }
0x85: {  	_ =	shalt  }
0x86: {  	_ =	shalt  }
0x87: {  	_ =	shalt  }
.Lfunc_end0:
.L_simem_size_0:
called_computation_lowered:
.L_overlay_start_0:
0x88: {  	s0 =	sld [smem:$0x3FD9]  }
0x89: {  	s1 =	sld [smem:$0x3FFE];
	_ =	sdelay $0x3  }
0x8a: {  	s0 =	sadd.s32 s1, s0  }
0x8b: {  	[smem:$0x3FC4] =	sst s0  }
0x8c: {  	_ = 	snop  }
0x8d: {  	s0 =	sld [smem:$0x3FC8]  }
0x8e: {  	s16 =	sld [smem:$0x3FC7]  }
0x8f: {  	s2 =	sld [smem:$0x3FC6]  }
0x90: {  	s3 =	sld [smem:$0x3FD0];
	(tm) =	ssettm $0x1  }
0x91: {  	s4 =	sld [smem:$0x3FFB];
	_ =	sdelay $0x3  }
0x92: {  	_ =	strace s4  }
0x93: {  	s4 =	sld [smem:$0x3FFC];
	_ =	sdelay $0x3  }
0x94: {  	_ =	strace s4  }
0x95: {  	s4 =	sld [smem:$0x3FFD];
	_ =	sdelay $0x3  }
0x96: {  	_ =	strace s4  }
0x97: {  	_ =	strace $0x8FFFFFFF  }
0x98: {  	s17 =	sld [smem:$0x3FDB];
	_ =	sdelay $0x1  }
0x99: {  	s5 =	simm.s32 $_scs_section_size  }
0x9a: {  	s6 =	simm.s32 $_size__tile_overlayer_lowered;
	s7 =	simm.s32 $_tile_overlayer_lowered  }
0x9b: {  	s20 =	simm.s32 $0x1BFF;
	s19 =	sshll.u32 s7, $0x1;
	s4 =	sadd.s32 s5, s17  }
0x9c: {  	s8 =	simm.s32 $0x0;
	s18 =	sshll.u32 s6, $0x1;
	s6 =	sadd.s32 s19, s4  }
0x9d: {  	[timem:s8], [sflag:s20] =	dma.local [hbm:s6], s18  }
0x9e: {  	_ =	swait.ge [sflag:s20], s18  }
0x9f: {  	s5 =	ssub.s32 $0x0, s18;
	[sflag:s20] =	ssyncset.done $0x0  }
0xa0: {  	[sflag:s20] =	ssyncadd.s32 s5;
	_ =	sdelay $0x1  }
0xa1: {  	s21 =	simm.s32 $0x1B8B  }
0xa2: {  	_ =	swait.ge [sflag:s21], $0x1  }
0xa3: {  	[sflag:s21] =	ssyncset.done $0x0  }
0xa4: {  	s23 =	simm.s32 $0x1B8E;
	s22 =	sld [smem:$0x3FFE];
	[sflag:s21] =	ssyncadd.s32 $0xFFFFFFFF  }
0xa5: {  	s24 =	simm.s32 $execute0_lowered;
	[smem:$0x3FD2] =	sst s23  }
0xa6: {  	s6 =	sshll.u32 s24, $0x1;
	_ =	strace $0x80000046;
	[dreg:$0x1] =	wrdreg $0xFFFFFFFF  }
0xa7: {  	s25 =	simm.s32 $_size_execute0_lowered;
	s4 =	sadd.s32 s4, s6;
	[dreg:$0x0] =	wrdreg $0x0  }
0xa8: {  	s6 =	sshll.u32 s25, $0x1;
	[dreg:$0x2] =	wrdreg s4  }
0xa9: {  	[dreg:$0x3] =	wrdreg s6  }
0xaa: {  	[dreg:$0x4] =	wrdreg $0xC0  }
0xab: {  	_ =	task [dreg:s8], $0x5FFFF  }
0xac: {  	[dreg:$0x1] =	wrdreg $0xFFFFFFFF  }
0xad: {  	[dreg:$0x0] =	wrdreg $0x60  }
0xae: {  	[dreg:$0x2] =	wrdreg s0  }
0xaf: {  	[dreg:$0x3] =	wrdreg s16  }
0xb0: {  	[dreg:$0x4] =	wrdreg s2  }
0xb1: {  	[dreg:$0x5] =	wrdreg s3  }
0xb2: {  	[dreg:$0x6] =	wrdreg s22  }
0xb3: {  	[dreg:$0x7] =	wrdreg $0x9  }
0xb4: {  	_ =	task.clear_ibuf [dreg:s8], $0x8FFFF;
	_ =	strace $0x90000046  }
0xb5: {  	s26 =	simm.s32 $0x9;
	_ =	strace $0x80000048  }
0xb6: {  	_ =	swait.ge [sflag:s26], $0x1  }
0xb7: {  	[sflag:s26] =	ssyncadd.s32 $0xFFFFFFFF  }
0xb8: {  	_ =	strace $0x90000048  }
0xb9: {  	_ =	sfence  }
0xba: {  	s28 =	sld [smem:$0x0];
	_ =	sdelay $0x1  }
0xbb: {  	s29 =	srdreg.scid  }
0xbc: {  	s30 =	sshll.u32 s29, $0xD;
	s31 =	sshrl.u32 s29, $0x2  }
0xbd: {  	s1 =	sand.u32 $0x1, s29;
	s2 =	sand.u32 $0x4000, s30;
	s0 =	sadd.s32 s31, s28  }
0xbe: {  	s1 =	sor.u32 s2, s1;
	s0 =	sshll.u32 s0, $0x11  }
0xbf: {  	s0 =	sor.u32 s0, s1  }
0xc0: {  	s0 =	sadd.s32 $0x8F2B, s0  }
0xc1: {  	[sflag:s0] =	ssyncadd.remote.s32 $0x1  }
0xc2: {  	_ =	sfence.sel $0xFFFF  }
0xc3: {  	[dreg:$0x0] =	wrdreg $0xFFFFFFFF;
	(pc) =	sbr.abs _section_cstart, $3  }
0xc4: {  	[dreg:$0x1] =	wrdreg $0xFFFFFFFF  }
0xc5: {  	_ =	task.clear_ibuf [dreg:s8], $0x2FFFF;
	_ =	strace $0x9FFFFFFF  }
0xc6: {  	(tm) =	ssettm $0x7FFFFFFF  }
0xc7: {  	_ =	shalt  }
tec
execute0_lowered:
.L_overlay_start_1:
0x0: {  	(tag) =	ssettag $0x1  }
0x1: {  	s0 =	rddreg [dreg:$0x0]  }
0x2: {  	s1 =	rddreg [dreg:$0x1]  }
0x3: {  	s2 =	rddreg [dreg:$0x2]  }
0x4: {  	s3 =	rddreg [dreg:$0x3]  }
0x5: {  	s4 =	rddreg [dreg:$0x4]  }
0x6: {  	s5 =	rddreg [dreg:$0x5];
	s6 =	simm.s32 $0x0;
	s7 =	stileid.u32  }
0x7: {  	[smem:$0x7FF] =	sst s6;
	p0 =	sgt.u32 s7, $0x7  }
0x8: {  	_ =	strace $0x80000047;
	s0 =	sadd.s32 @!p0 s0, s7;
	s6 =	simm.s32 @!p0 $0x0  }
0x9: {  	[tilespmem:s6], [sflag:$0x3] =	stream.linear.gather @!p0 [hbm4b:s0+s6], $0x8, $0x38;
	[tilespmem:$0x1080] =	vst v63  }
0xa: {  	s0 =	simm.s32 @!p0 $0x3  }
0xb: {  	_ =	swait.ge @!p0 [sflag:s0], $0x8  }
0xc: {  	[sflag:s0] =	ssyncset.done @!p0 $0x0  }
0xd: {  	[sflag:s0] =	ssyncadd.s32 @!p0 $0xFFFFFFF8  }
0xe: {  	v0 =	vld.msk @!p0 [tilespmem:$0x0], $0xff;
	_ =	sdelay $0x4  }
0xf: {  	v1 =	vshll.u32 @!p0 v0, $0x1  }
0x10: {  	v2 =	vlaneseq.u32 @!p0;
	v0 =	vand.u32 @!p0 $0x7, v0;
	v1 =	vand.u32 @!p0 $0xFFFFFFF0, v1  }
0x11: {  	v0 =	vor.u32 @!p0 v0, v1;
	v1 =	vand.u32 @!p0 $0x7, v2;
	v2 =	vshrl.u32 @!p0 v2, $0x3  }
0x12: {  	v0 =	vperm.xlane @!p0 v0, v1;
	v2 =	vmul.u32 @!p0 $0x8, v2;
	_ =	sdelay $0x1  }
0x13: {  	v0 =	vadd.s32 @!p0 v2, v0;
	_ =	sdelay $0x3  }
0x14: {  	vm0 =	vmmov @!p0 $0xffff;
	s0 =	simm.s32 @!p0 $0x80  }
0x15: {  	[tilespmem:s0], [sflag:$0x1] =	stream.indirect_vreg.gather @!p0 [hbm4b:s1+s6], $0x80, v0, vm0, $0xb8;
	[tilespmem:$0x1080] =	vst v63  }
0x16: {  	v0 =	vld.msk @!p0 [tilespmem:$0x0], $0xff;
	_ =	sdelay $0x4  }
0x17: {  	v3 =	vshll.u32 @!p0 v0, $0x1  }
0x18: {  	v0 =	vand.u32 @!p0 $0x7, v0;
	v3 =	vand.u32 @!p0 $0xFFFFFFF0, v3  }
0x19: {  	v0 =	vor.u32 @!p0 v0, v3  }
0x1a: {  	v0 =	vperm.xlane @!p0 v0, v1;
	_ =	sdelay $0x1  }
0x1b: {  	v0 =	vadd.s32 @!p0 v2, v0;
	_ =	sdelay $0x3  }
0x1c: {  	s1 =	simm.s32 @!p0 $0x880  }
0x1d: {  	[tilespmem:s1], [sflag:$0x2] =	stream.indirect_vreg.gather @!p0 [hbm4b:s2+s6], $0x80, v0, vm0, $0xb8;
	[tilespmem:$0x1080] =	vst v63  }
0x1e: {  	s2 =	simm.s32 @!p0 $0x1  }
0x1f: {  	_ =	swait.ge @!p0 [sflag:s2], $0x800  }
0x20: {  	[sflag:s2] =	ssyncset.done @!p0 $0x0  }
0x21: {  	s8 =	simm.s32 @!p0 $0x2;
	[sflag:s2] =	ssyncadd.s32 @!p0 $0xFFFFF800  }
0x22: {  	_ =	swait.ge @!p0 [sflag:s8], $0x800  }
0x23: {  	s9 =	sshll.u32 @!p0 s7, $0x8;
	[sflag:s8] =	ssyncset.done @!p0 $0x0  }
0x24: {  	s3 =	sadd.s32 @!p0 s3, s9;
	[sflag:s8] =	ssyncadd.s32 @!p0 $0xFFFFF800  }
0x25: {  	[hbm4b:s3+s6] =	stream.linear.scatter @!p0 [tilespmem:s0], [sflag:$0x1], $0x800, $0x38;
	[tilespmem:$0x1080] =	vst v63  }
0x26: {  	s0 =	sadd.s32 $0xC00, s4  }
0x27: {  	s0 =	sadd.s32 @!p0 s0, s9  }
0x28: {  	[hbm4b:s0+s6] =	stream.linear.scatter @!p0 [tilespmem:s1], [sflag:$0x2], $0x800, $0x38;
	[tilespmem:$0x1080] =	vst v63  }
0x29: {  	_ =	swait.ge @!p0 [sflag:s2], $0x800  }
0x2a: {  	[sflag:s2] =	ssyncset.done @!p0 $0x0  }
0x2b: {  	[sflag:s2] =	ssyncadd.s32 @!p0 $0xFFFFF800  }
0x2c: {  	_ =	swait.ge @!p0 [sflag:s8], $0x800  }
0x2d: {  	[sflag:s8] =	ssyncset.done @!p0 $0x0  }
0x2e: {  	[sflag:s8] =	ssyncadd.s32 @!p0 $0xFFFFF800  }
0x2f: {  	_ =	sfence.sel $0x180000  }
0x30: {  	[bflag:$0x0] =	sbarrier.arrive $0xFFFF  }
0x31: {  	p0 =	sne.s32 s7, $0x0;
	_ =	strace $0x90000047  }
0x32: {  	s0 =	sadd.s32 @!p0 $0x100000, s5;
	[bflag:$0x2] =	sbarrier.arrive $0xFFFF  }
0x33: {  	[sflag:s0] =	ssyncadd.tile.s32 @!p0 $0x1;
	_ =	shalt  }
.Lfunc_end2:
_tile_overlayer_lowered:
.L_overlay_start_2:
0x34: {  	(tag) =	ssettag $0x2  }
0x35: {  	s0 =	rddreg [dreg:$0x0];
	s2 =	stileid.u32  }
0x36: {  	s1 =	rddreg [dreg:$0x1];
	p0 =	sne.s32 s2, $0x0  }
0x37: {  	s3 =	rddreg [dreg:$0x2];
	[bflag:$0x3] =	sbarrier.arrive $0xFFFF;
	s2 =	simm.s32 @!p0 $0x1C03  }
0x38: {  	[timem:s3], [sflag:s2] =	dma.local @!p0 [hbm:s0], s1  }
0x39: {  	s0 =	simm.s32 @!p0 $0x3  }
0x3a: {  	_ =	swait.ge @!p0 [sflag:s0], s1  }
0x3b: {  	s1 =	ssub.s32 @!p0 $0x0, s1;
	[sflag:s0] =	ssyncset.done @!p0 $0x0  }
0x3c: {  	[sflag:s0] =	ssyncadd.s32 @!p0 s1  }
0x3d: {  	[bflag:$0x3] =	sbarrier.arrive $0xFFFF  }
0x3e: {  	_ =	shalt  }

</sc_bundles>
